<compile_context>
chip_gen: v7x
topology: tpu7x:2x2x1
jax: 0.10.2.dev20260603
libtpu: 0.0.44.dev20260713+nightly
codegen_flags: <defaults>
</compile_context>

<pallas_src>
import jax
import jax.numpy as jnp
from jax import lax
from jax.experimental import pallas as pl
from jax.experimental.pallas import tpu as pltpu
from jax.experimental.pallas import tpu_sc as plsc

N_NODES = 10000
N_EDGES = 320000
D_FEAT = 128

NC = 2
NS = 16
NW = NC * NS

E_PER_W = N_EDGES // NW
CHUNK = 128
NBUF = 3
N_CHUNKS = E_PER_W // CHUNK
TAIL = E_PER_W - N_CHUNKS * CHUNK


ROWS_PER_TILE = 624


def _gather_body(h_hbm, src_hbm, out_hbm, h_spmem, idx_bufs, row_bufs,
                 gat_sems, out_sems, stage_sem):
    cid = lax.axis_index("c")
    sid = lax.axis_index("s")
    wid = sid * NC + cid
    base = wid * E_PER_W

    stage_off = sid * ROWS_PER_TILE
    pltpu.async_copy(h_hbm.at[pl.ds(stage_off, ROWS_PER_TILE)],
                     h_spmem.at[pl.ds(stage_off, ROWS_PER_TILE)], stage_sem)
    rem_off = NS * ROWS_PER_TILE
    rem = N_NODES - rem_off

    @pl.when(sid == NS - 1)
    def _stage_rem():
        pltpu.async_copy(h_hbm.at[pl.ds(rem_off, rem)],
                         h_spmem.at[pl.ds(rem_off, rem)], stage_sem)

    def fill(b, j):
        pltpu.sync_copy(src_hbm.at[pl.ds(base + j * CHUNK, CHUNK)], idx_bufs[b])
        pltpu.async_copy(
            h_spmem.at[idx_bufs[b]], row_bufs[b], gat_sems[b]
        )

    def wait_fill(b, j):
        pltpu.make_async_copy(
            h_spmem.at[idx_bufs[b]], row_bufs[b], gat_sems[b]
        ).wait()

    def scatter(b, j):
        pltpu.async_copy(
            row_bufs[b], out_hbm.at[pl.ds(base + j * CHUNK, CHUNK)], out_sems[b]
        )

    def wait_scatter(b, j):
        pltpu.make_async_copy(
            row_bufs[b], out_hbm.at[pl.ds(base + j * CHUNK, CHUNK)], out_sems[b]
        ).wait()

    for b in range(NBUF):
        pltpu.sync_copy(src_hbm.at[pl.ds(base + b * CHUNK, CHUNK)], idx_bufs[b])
        pltpu.async_copy(h_hbm.at[idx_bufs[b]], row_bufs[b], gat_sems[b])

    pltpu.make_async_copy(
        h_hbm.at[pl.ds(stage_off, ROWS_PER_TILE)],
        h_spmem.at[pl.ds(stage_off, ROWS_PER_TILE)], stage_sem
    ).wait()

    @pl.when(sid == NS - 1)
    def _wait_rem():
        pltpu.make_async_copy(h_hbm.at[pl.ds(rem_off, rem)],
                              h_spmem.at[pl.ds(rem_off, rem)], stage_sem).wait()

    plsc.subcore_barrier()

    def group(gi, carry):
        g = gi * NBUF
        for b in range(NBUF):
            wait_fill(b, g + b)
            scatter(b, g + b)
        for b in range(NBUF):
            wait_scatter(b, g + b)
            fill(b, g + b + NBUF)
        return carry

    lax.fori_loop(0, N_CHUNKS // NBUF - 1, group, 0)

    last = N_CHUNKS - NBUF
    for b in range(NBUF):
        wait_fill(b, last + b)
        scatter(b, last + b)
    for b in range(NBUF):
        wait_scatter(b, last + b)

    toff = base + N_CHUNKS * CHUNK
    t_idx = idx_bufs[0].at[pl.ds(0, TAIL)]
    t_rows = row_bufs[0].at[pl.ds(0, TAIL)]
    pltpu.sync_copy(src_hbm.at[pl.ds(toff, TAIL)], t_idx)
    pltpu.async_copy(h_spmem.at[t_idx], t_rows, gat_sems[0])
    pltpu.make_async_copy(h_spmem.at[t_idx], t_rows, gat_sems[0]).wait()
    pltpu.sync_copy(t_rows, out_hbm.at[pl.ds(toff, TAIL)])


def _sc_gather(h, src):
    mesh = plsc.VectorSubcoreMesh(
        core_axis_name="c", subcore_axis_name="s", num_cores=NC, num_subcores=NS
    )
    scratch = (
        pltpu.VMEM_SHARED((N_NODES, D_FEAT), jnp.float32),
        [pltpu.VMEM((CHUNK,), jnp.int32) for _ in range(NBUF)],
        [pltpu.VMEM((CHUNK, D_FEAT), jnp.float32) for _ in range(NBUF)],
        [pltpu.SemaphoreType.DMA for _ in range(NBUF)],
        [pltpu.SemaphoreType.DMA for _ in range(NBUF)],
        pltpu.SemaphoreType.DMA,
    )
    run = pl.kernel(
        _gather_body,
        out_type=jax.ShapeDtypeStruct((N_EDGES, D_FEAT), jnp.float32),
        mesh=mesh,
        scratch_types=scratch,
        name="sc_edge_gather",
    )
    return run(h, src)


@jax.jit
def kernel(h, edge_index):
    src = edge_index[0].astype(jnp.int32)
    return _sc_gather(h, src)

# --- scband reference (transcript-rebuilt; emitter-appended) ---
"""Pipeline reference for scband-dot-product-predictor-15324443312381 (READ-ONLY COPY).

The authoritative reference and input builder live on the scoring server;
editing this copy changes nothing except your own understanding.
"""

import jax, jax.numpy as jnp
import numpy as np

N_NODES = 10000
N_EDGES = 320000
D_FEAT = 128

def setup_inputs(seed: int = 0) -> dict:
    key = jax.random.key(seed)
    k1, k2 = jax.random.split(key)
    h = jax.random.normal(k1, (N_NODES, D_FEAT), dtype=jnp.float32)
    edge_index = jax.random.randint(k2, (2, N_EDGES), 0, N_NODES, dtype=jnp.int64)
    return {"h": h, "edge_index": edge_index}

def reference(h, edge_index):
    # DGL local_scope: ndata['h'] = h
    src = edge_index[0]
    dst = edge_index[1]
    # apply_edges(fn.u_dot_v('h','h','score')) -> per-edge dot product [E,1]
    score_dot = jnp.sum(h[src] * h[dst], axis=-1, keepdims=True)
    # apply_edges(fn.copy_src(src='h', out='score')) OVERWRITES 'score' with h[src]
    score = h[src]
    # module returns graph.edata['score'] (the copy_src result)
    return score

if __name__ == "__main__":
    import jax
    _d = setup_inputs()
    print(jax.jit(kernel)(*tuple(_d.values())))

</pallas_src>

<mosaic_0001>
#map = affine_map<(d0, d1) -> (0, 0)>
#map1 = affine_map<(d0, d1) -> (0)>
module attributes {stable_mosaic.version = 14 : i64} {
  func.func @sc_edge_gather(%arg0: i32, %arg1: i32, %arg2: memref<10000x128xf32, #tpu.memory_space<hbm>>, %arg3: memref<320000xi32, #tpu.memory_space<hbm>>, %arg4: memref<320000x128xf32, #tpu.memory_space<hbm>>, %arg5: memref<10000x128xf32, #tpu.memory_space<vmem_shared>>, %arg6: memref<128xi32, #tpu.memory_space<vmem>>, %arg7: memref<128xi32, #tpu.memory_space<vmem>>, %arg8: memref<128xi32, #tpu.memory_space<vmem>>, %arg9: memref<128x128xf32, #tpu.memory_space<vmem>>, %arg10: memref<128x128xf32, #tpu.memory_space<vmem>>, %arg11: memref<128x128xf32, #tpu.memory_space<vmem>>, %arg12: memref<!tpu.dma_semaphore, #tpu.memory_space<semaphore_mem>>, %arg13: memref<!tpu.dma_semaphore, #tpu.memory_space<semaphore_mem>>, %arg14: memref<!tpu.dma_semaphore, #tpu.memory_space<semaphore_mem>>, %arg15: memref<!tpu.dma_semaphore, #tpu.memory_space<semaphore_mem>>, %arg16: memref<!tpu.dma_semaphore, #tpu.memory_space<semaphore_mem>>, %arg17: memref<!tpu.dma_semaphore, #tpu.memory_space<semaphore_mem>>, %arg18: memref<!tpu.dma_semaphore, #tpu.memory_space<semaphore_mem>>) attributes {dimension_semantics = [#tpu.dimension_semantics<core_parallel>, #tpu.dimension_semantics<subcore_parallel>], iteration_bounds = array<i64: 2, 16>, scalar_prefetch = 0 : i64, scratch_operands = 14 : i64, tpu.core_type = #tpu.core_type<sc_vector_subcore>, window_params = [{transform_indices = #map}, {transform_indices = #map1}, {transform_indices = #map}]} {
    %mul3A = arith.constant 2 : i32
    %mul3A_0 = arith.muli %arg1, %mul3A : i32
    %add3A = arith.addi %mul3A_0, %arg0 : i32
    %mul3A_1 = arith.constant 10000 : i32
    %mul3A_2 = arith.muli %add3A, %mul3A_1 : i32
    %mul3A_3 = arith.constant 624 : i32
    %mul3A_4 = arith.muli %arg1, %mul3A_3 : i32
    %dma_start3A = arith.constant 0 : i32
    %dma_start3A_5 = tpu.memref_slice %arg5[%mul3A_4, %dma_start3A] : memref<10000x128xf32, #tpu.memory_space<vmem_shared>> -> memref<624x128xf32, #tpu.memory_space<vmem_shared>>
    %dma_start3A_6 = arith.constant 0 : i32
    %dma_start3A_7 = tpu.memref_slice %arg2[%mul3A_4, %dma_start3A_6] : memref<10000x128xf32, #tpu.memory_space<hbm>> -> memref<624x128xf32, #tpu.memory_space<hbm>>
    tpu.enqueue_dma source(%dma_start3A_7 : memref<624x128xf32, #tpu.memory_space<hbm>>) target(%dma_start3A_5 : memref<624x128xf32, #tpu.memory_space<vmem_shared>>) target_semaphore(%arg18 : memref<!tpu.dma_semaphore, #tpu.memory_space<semaphore_mem>>)
    %eq3A = arith.constant 15 : i32
    %eq3A_8 = arith.cmpi eq, %arg1, %eq3A : i32
    %convert_element_type3A = arith.extui %eq3A_8 : i1 to i32
    %cond3A = arith.constant 0 : i32
    %cond3A_9 = arith.cmpi ne, %convert_element_type3A, %cond3A : i32
    scf.if %cond3A_9 {
      %dma_start3A_101 = arith.constant 9984 : i32
      %dma_start3A_102 = arith.constant 0 : i32
      %dma_start3A_103 = tpu.memref_slice %arg5[%dma_start3A_101, %dma_start3A_102] : memref<10000x128xf32, #tpu.memory_space<vmem_shared>> -> memref<16x128xf32, #tpu.memory_space<vmem_shared>>
      %dma_start3A_104 = arith.constant 9984 : i32
      %dma_start3A_105 = arith.constant 0 : i32
      %dma_start3A_106 = tpu.memref_slice %arg2[%dma_start3A_104, %dma_start3A_105] : memref<10000x128xf32, #tpu.memory_space<hbm>> -> memref<16x128xf32, #tpu.memory_space<hbm>>
      tpu.enqueue_dma source(%dma_start3A_106 : memref<16x128xf32, #tpu.memory_space<hbm>>) target(%dma_start3A_103 : memref<16x128xf32, #tpu.memory_space<vmem_shared>>) target_semaphore(%arg18 : memref<!tpu.dma_semaphore, #tpu.memory_space<semaphore_mem>>)
    } else {
    }
    %add3A_10 = arith.constant 0 : i32
    %add3A_11 = arith.addi %mul3A_2, %add3A_10 : i32
    "tpu.region"() ({
      %run_scoped3A = tpu.sem_alloc : memref<!tpu.dma_semaphore, #tpu.memory_space<semaphore_mem>>
      %dma_start3A_101 = tpu.memref_slice %arg3[%add3A_11] : memref<320000xi32, #tpu.memory_space<hbm>> -> memref<128xi32, #tpu.memory_space<hbm>>
      %dma_start3A_102 = tpu.memref_slice %arg3[%add3A_11] : memref<320000xi32, #tpu.memory_space<hbm>> -> memref<128xi32, #tpu.memory_space<hbm>>
      tpu.enqueue_dma source(%dma_start3A_102 : memref<128xi32, #tpu.memory_space<hbm>>) target(%arg6 : memref<128xi32, #tpu.memory_space<vmem>>) target_semaphore(%run_scoped3A : memref<!tpu.dma_semaphore, #tpu.memory_space<semaphore_mem>>)
      %dma_wait3A_103 = tpu.memref_slice %arg3[%add3A_11] : memref<320000xi32, #tpu.memory_space<hbm>> -> memref<128xi32, #tpu.memory_space<hbm>>
      %dma_wait3A_104 = tpu.memref_slice %arg3[%add3A_11] : memref<320000xi32, #tpu.memory_space<hbm>> -> memref<128xi32, #tpu.memory_space<hbm>>
      tpu.wait_dma2 semaphore(%run_scoped3A : memref<!tpu.dma_semaphore, #tpu.memory_space<semaphore_mem>>) src(%dma_wait3A_104 : memref<128xi32, #tpu.memory_space<hbm>>) dst(%arg6 : memref<128xi32, #tpu.memory_space<vmem>>)
      tpu.yield
    }) : () -> ()
    %dma_start3A_12 = arith.constant 0 : i32
    %dma_start3A_13 = arith.constant 0 : i32
    %dma_start3A_14 = tpu.memref_slice %arg2[%dma_start3A_12, %dma_start3A_13] : memref<10000x128xf32, #tpu.memory_space<hbm>> -> memref<10000x128xf32, #tpu.memory_space<hbm>>
    tpu.enqueue_indirect_dma source(%dma_start3A_14 : memref<10000x128xf32, #tpu.memory_space<hbm>>) target(%arg9 : memref<128x128xf32, #tpu.memory_space<vmem>>) offsets(%arg6 : memref<128xi32, #tpu.memory_space<vmem>>) semaphore(%arg12 : memref<!tpu.dma_semaphore, #tpu.memory_space<semaphore_mem>>)
    %add3A_15 = arith.constant 128 : i32
    %add3A_16 = arith.addi %mul3A_2, %add3A_15 : i32
    "tpu.region"() ({
      %run_scoped3A = tpu.sem_alloc : memref<!tpu.dma_semaphore, #tpu.memory_space<semaphore_mem>>
      %dma_start3A_101 = tpu.memref_slice %arg3[%add3A_16] : memref<320000xi32, #tpu.memory_space<hbm>> -> memref<128xi32, #tpu.memory_space<hbm>>
      %dma_start3A_102 = tpu.memref_slice %arg3[%add3A_16] : memref<320000xi32, #tpu.memory_space<hbm>> -> memref<128xi32, #tpu.memory_space<hbm>>
      tpu.enqueue_dma source(%dma_start3A_102 : memref<128xi32, #tpu.memory_space<hbm>>) target(%arg7 : memref<128xi32, #tpu.memory_space<vmem>>) target_semaphore(%run_scoped3A : memref<!tpu.dma_semaphore, #tpu.memory_space<semaphore_mem>>)
      %dma_wait3A_103 = tpu.memref_slice %arg3[%add3A_16] : memref<320000xi32, #tpu.memory_space<hbm>> -> memref<128xi32, #tpu.memory_space<hbm>>
      %dma_wait3A_104 = tpu.memref_slice %arg3[%add3A_16] : memref<320000xi32, #tpu.memory_space<hbm>> -> memref<128xi32, #tpu.memory_space<hbm>>
      tpu.wait_dma2 semaphore(%run_scoped3A : memref<!tpu.dma_semaphore, #tpu.memory_space<semaphore_mem>>) src(%dma_wait3A_104 : memref<128xi32, #tpu.memory_space<hbm>>) dst(%arg7 : memref<128xi32, #tpu.memory_space<vmem>>)
      tpu.yield
    }) : () -> ()
    %dma_start3A_17 = arith.constant 0 : i32
    %dma_start3A_18 = arith.constant 0 : i32
    %dma_start3A_19 = tpu.memref_slice %arg2[%dma_start3A_17, %dma_start3A_18] : memref<10000x128xf32, #tpu.memory_space<hbm>> -> memref<10000x128xf32, #tpu.memory_space<hbm>>
    tpu.enqueue_indirect_dma source(%dma_start3A_19 : memref<10000x128xf32, #tpu.memory_space<hbm>>) target(%arg10 : memref<128x128xf32, #tpu.memory_space<vmem>>) offsets(%arg7 : memref<128xi32, #tpu.memory_space<vmem>>) semaphore(%arg13 : memref<!tpu.dma_semaphore, #tpu.memory_space<semaphore_mem>>)
    %add3A_20 = arith.constant 256 : i32
    %add3A_21 = arith.addi %mul3A_2, %add3A_20 : i32
    "tpu.region"() ({
      %run_scoped3A = tpu.sem_alloc : memref<!tpu.dma_semaphore, #tpu.memory_space<semaphore_mem>>
      %dma_start3A_101 = tpu.memref_slice %arg3[%add3A_21] : memref<320000xi32, #tpu.memory_space<hbm>> -> memref<128xi32, #tpu.memory_space<hbm>>
      %dma_start3A_102 = tpu.memref_slice %arg3[%add3A_21] : memref<320000xi32, #tpu.memory_space<hbm>> -> memref<128xi32, #tpu.memory_space<hbm>>
      tpu.enqueue_dma source(%dma_start3A_102 : memref<128xi32, #tpu.memory_space<hbm>>) target(%arg8 : memref<128xi32, #tpu.memory_space<vmem>>) target_semaphore(%run_scoped3A : memref<!tpu.dma_semaphore, #tpu.memory_space<semaphore_mem>>)
      %dma_wait3A_103 = tpu.memref_slice %arg3[%add3A_21] : memref<320000xi32, #tpu.memory_space<hbm>> -> memref<128xi32, #tpu.memory_space<hbm>>
      %dma_wait3A_104 = tpu.memref_slice %arg3[%add3A_21] : memref<320000xi32, #tpu.memory_space<hbm>> -> memref<128xi32, #tpu.memory_space<hbm>>
      tpu.wait_dma2 semaphore(%run_scoped3A : memref<!tpu.dma_semaphore, #tpu.memory_space<semaphore_mem>>) src(%dma_wait3A_104 : memref<128xi32, #tpu.memory_space<hbm>>) dst(%arg8 : memref<128xi32, #tpu.memory_space<vmem>>)
      tpu.yield
    }) : () -> ()
    %dma_start3A_22 = arith.constant 0 : i32
    %dma_start3A_23 = arith.constant 0 : i32
    %dma_start3A_24 = tpu.memref_slice %arg2[%dma_start3A_22, %dma_start3A_23] : memref<10000x128xf32, #tpu.memory_space<hbm>> -> memref<10000x128xf32, #tpu.memory_space<hbm>>
    tpu.enqueue_indirect_dma source(%dma_start3A_24 : memref<10000x128xf32, #tpu.memory_space<hbm>>) target(%arg11 : memref<128x128xf32, #tpu.memory_space<vmem>>) offsets(%arg8 : memref<128xi32, #tpu.memory_space<vmem>>) semaphore(%arg14 : memref<!tpu.dma_semaphore, #tpu.memory_space<semaphore_mem>>)
    %dma_wait3A = arith.constant 0 : i32
    %dma_wait3A_25 = tpu.memref_slice %arg5[%mul3A_4, %dma_wait3A] : memref<10000x128xf32, #tpu.memory_space<vmem_shared>> -> memref<624x128xf32, #tpu.memory_space<vmem_shared>>
    %dma_wait3A_26 = arith.constant 0 : i32
    %dma_wait3A_27 = tpu.memref_slice %arg2[%mul3A_4, %dma_wait3A_26] : memref<10000x128xf32, #tpu.memory_space<hbm>> -> memref<624x128xf32, #tpu.memory_space<hbm>>
    tpu.wait_dma2 semaphore(%arg18 : memref<!tpu.dma_semaphore, #tpu.memory_space<semaphore_mem>>) src(%dma_wait3A_27 : memref<624x128xf32, #tpu.memory_space<hbm>>) dst(%dma_wait3A_25 : memref<624x128xf32, #tpu.memory_space<vmem_shared>>)
    %eq3A_28 = arith.constant 15 : i32
    %eq3A_29 = arith.cmpi eq, %arg1, %eq3A_28 : i32
    %convert_element_type3A_30 = arith.extui %eq3A_29 : i1 to i32
    %cond3A_31 = arith.constant 0 : i32
    %cond3A_32 = arith.cmpi ne, %convert_element_type3A_30, %cond3A_31 : i32
    scf.if %cond3A_32 {
      %dma_wait3A_101 = arith.constant 9984 : i32
      %dma_wait3A_102 = arith.constant 0 : i32
      %dma_wait3A_103 = tpu.memref_slice %arg5[%dma_wait3A_101, %dma_wait3A_102] : memref<10000x128xf32, #tpu.memory_space<vmem_shared>> -> memref<16x128xf32, #tpu.memory_space<vmem_shared>>
      %dma_wait3A_104 = arith.constant 9984 : i32
      %dma_wait3A_105 = arith.constant 0 : i32
      %dma_wait3A_106 = tpu.memref_slice %arg2[%dma_wait3A_104, %dma_wait3A_105] : memref<10000x128xf32, #tpu.memory_space<hbm>> -> memref<16x128xf32, #tpu.memory_space<hbm>>
      tpu.wait_dma2 semaphore(%arg18 : memref<!tpu.dma_semaphore, #tpu.memory_space<semaphore_mem>>) src(%dma_wait3A_106 : memref<16x128xf32, #tpu.memory_space<hbm>>) dst(%dma_wait3A_103 : memref<16x128xf32, #tpu.memory_space<vmem_shared>>)
    } else {
    }
    %barrier3A = arith.constant 0 : index
    tpu.barrier barrier_id(%barrier3A)
    %scan3A = arith.constant 0 : i32
    %scan3A_33 = arith.constant 0 : i32
    %scan3A_34 = arith.constant 25 : i32
    %scan3A_35 = arith.addi %scan3A_33, %scan3A_34 : i32
    %scan3A_36 = arith.constant 1 : i32
    scf.for %scan3A_101 = %scan3A_33 to %scan3A_35 step %scan3A_36  : i32 {
      %mul3A_102 = arith.constant 3 : i32
      %mul3A_103 = arith.muli %scan3A_101, %mul3A_102 : i32
      %add3A_104 = arith.constant 0 : i32
      %add3A_105 = arith.addi %mul3A_103, %add3A_104 : i32
      %dma_wait3A_106 = arith.constant 0 : i32
      %dma_wait3A_107 = arith.constant 0 : i32
      %dma_wait3A_108 = tpu.memref_slice %arg5[%dma_wait3A_106, %dma_wait3A_107] : memref<10000x128xf32, #tpu.memory_space<vmem_shared>> -> memref<10000x128xf32, #tpu.memory_space<vmem_shared>>
      tpu.wait_indirect_dma semaphore(%arg12 : memref<!tpu.dma_semaphore, #tpu.memory_space<semaphore_mem>>) src(%dma_wait3A_108 : memref<10000x128xf32, #tpu.memory_space<vmem_shared>>) dst(%arg9 : memref<128x128xf32, #tpu.memory_space<vmem>>)
      %add3A_109 = arith.constant 0 : i32
      %add3A_110 = arith.addi %mul3A_103, %add3A_109 : i32
      %mul3A_111 = arith.constant 128 : i32
      %mul3A_112 = arith.muli %add3A_110, %mul3A_111 : i32
      %add3A_113 = arith.addi %mul3A_2, %mul3A_112 : i32
      %dma_start3A_114 = arith.constant 0 : i32
      %dma_start3A_115 = tpu.memref_slice %arg4[%add3A_113, %dma_start3A_114] : memref<320000x128xf32, #tpu.memory_space<hbm>> -> memref<128x128xf32, #tpu.memory_space<hbm>>
      %dma_start3A_116 = arith.constant 0 : i32
      %dma_start3A_117 = tpu.memref_slice %arg4[%add3A_113, %dma_start3A_116] : memref<320000x128xf32, #tpu.memory_space<hbm>> -> memref<128x128xf32, #tpu.memory_space<hbm>>
      tpu.enqueue_dma source(%arg9 : memref<128x128xf32, #tpu.memory_space<vmem>>) target(%dma_start3A_117 : memref<128x128xf32, #tpu.memory_space<hbm>>) target_semaphore(%arg15 : memref<!tpu.dma_semaphore, #tpu.memory_space<semaphore_mem>>)
      %add3A_118 = arith.constant 1 : i32
      %add3A_119 = arith.addi %mul3A_103, %add3A_118 : i32
      %dma_wait3A_120 = arith.constant 0 : i32
      %dma_wait3A_121 = arith.constant 0 : i32
      %dma_wait3A_122 = tpu.memref_slice %arg5[%dma_wait3A_120, %dma_wait3A_121] : memref<10000x128xf32, #tpu.memory_space<vmem_shared>> -> memref<10000x128xf32, #tpu.memory_space<vmem_shared>>
      tpu.wait_indirect_dma semaphore(%arg13 : memref<!tpu.dma_semaphore, #tpu.memory_space<semaphore_mem>>) src(%dma_wait3A_122 : memref<10000x128xf32, #tpu.memory_space<vmem_shared>>) dst(%arg10 : memref<128x128xf32, #tpu.memory_space<vmem>>)
      %add3A_123 = arith.constant 1 : i32
      %add3A_124 = arith.addi %mul3A_103, %add3A_123 : i32
      %mul3A_125 = arith.constant 128 : i32
      %mul3A_126 = arith.muli %add3A_124, %mul3A_125 : i32
      %add3A_127 = arith.addi %mul3A_2, %mul3A_126 : i32
      %dma_start3A_128 = arith.constant 0 : i32
      %dma_start3A_129 = tpu.memref_slice %arg4[%add3A_127, %dma_start3A_128] : memref<320000x128xf32, #tpu.memory_space<hbm>> -> memref<128x128xf32, #tpu.memory_space<hbm>>
      %dma_start3A_130 = arith.constant 0 : i32
      %dma_start3A_131 = tpu.memref_slice %arg4[%add3A_127, %dma_start3A_130] : memref<320000x128xf32, #tpu.memory_space<hbm>> -> memref<128x128xf32, #tpu.memory_space<hbm>>
      tpu.enqueue_dma source(%arg10 : memref<128x128xf32, #tpu.memory_space<vmem>>) target(%dma_start3A_131 : memref<128x128xf32, #tpu.memory_space<hbm>>) target_semaphore(%arg16 : memref<!tpu.dma_semaphore, #tpu.memory_space<semaphore_mem>>)
      %add3A_132 = arith.constant 2 : i32
      %add3A_133 = arith.addi %mul3A_103, %add3A_132 : i32
      %dma_wait3A_134 = arith.constant 0 : i32
      %dma_wait3A_135 = arith.constant 0 : i32
      %dma_wait3A_136 = tpu.memref_slice %arg5[%dma_wait3A_134, %dma_wait3A_135] : memref<10000x128xf32, #tpu.memory_space<vmem_shared>> -> memref<10000x128xf32, #tpu.memory_space<vmem_shared>>
      tpu.wait_indirect_dma semaphore(%arg14 : memref<!tpu.dma_semaphore, #tpu.memory_space<semaphore_mem>>) src(%dma_wait3A_136 : memref<10000x128xf32, #tpu.memory_space<vmem_shared>>) dst(%arg11 : memref<128x128xf32, #tpu.memory_space<vmem>>)
      %add3A_137 = arith.constant 2 : i32
      %add3A_138 = arith.addi %mul3A_103, %add3A_137 : i32
      %mul3A_139 = arith.constant 128 : i32
      %mul3A_140 = arith.muli %add3A_138, %mul3A_139 : i32
      %add3A_141 = arith.addi %mul3A_2, %mul3A_140 : i32
      %dma_start3A_142 = arith.constant 0 : i32
      %dma_start3A_143 = tpu.memref_slice %arg4[%add3A_141, %dma_start3A_142] : memref<320000x128xf32, #tpu.memory_space<hbm>> -> memref<128x128xf32, #tpu.memory_space<hbm>>
      %dma_start3A_144 = arith.constant 0 : i32
      %dma_start3A_145 = tpu.memref_slice %arg4[%add3A_141, %dma_start3A_144] : memref<320000x128xf32, #tpu.memory_space<hbm>> -> memref<128x128xf32, #tpu.memory_space<hbm>>
      tpu.enqueue_dma source(%arg11 : memref<128x128xf32, #tpu.memory_space<vmem>>) target(%dma_start3A_145 : memref<128x128xf32, #tpu.memory_space<hbm>>) target_semaphore(%arg17 : memref<!tpu.dma_semaphore, #tpu.memory_space<semaphore_mem>>)
      %add3A_146 = arith.constant 0 : i32
      %add3A_147 = arith.addi %mul3A_103, %add3A_146 : i32
      %mul3A_148 = arith.constant 128 : i32
      %mul3A_149 = arith.muli %add3A_147, %mul3A_148 : i32
      %add3A_150 = arith.addi %mul3A_2, %mul3A_149 : i32
      %dma_wait3A_151 = arith.constant 0 : i32
      %dma_wait3A_152 = tpu.memref_slice %arg4[%add3A_150, %dma_wait3A_151] : memref<320000x128xf32, #tpu.memory_space<hbm>> -> memref<128x128xf32, #tpu.memory_space<hbm>>
      %dma_wait3A_153 = arith.constant 0 : i32
      %dma_wait3A_154 = tpu.memref_slice %arg4[%add3A_150, %dma_wait3A_153] : memref<320000x128xf32, #tpu.memory_space<hbm>> -> memref<128x128xf32, #tpu.memory_space<hbm>>
      tpu.wait_dma2 semaphore(%arg15 : memref<!tpu.dma_semaphore, #tpu.memory_space<semaphore_mem>>) src(%arg9 : memref<128x128xf32, #tpu.memory_space<vmem>>) dst(%dma_wait3A_154 : memref<128x128xf32, #tpu.memory_space<hbm>>)
      %add3A_155 = arith.constant 0 : i32
      %add3A_156 = arith.addi %mul3A_103, %add3A_155 : i32
      %add3A_157 = arith.constant 3 : i32
      %add3A_158 = arith.addi %add3A_156, %add3A_157 : i32
      %mul3A_159 = arith.constant 128 : i32
      %mul3A_160 = arith.muli %add3A_158, %mul3A_159 : i32
      %add3A_161 = arith.addi %mul3A_2, %mul3A_160 : i32
      "tpu.region"() ({
        %run_scoped3A = tpu.sem_alloc : memref<!tpu.dma_semaphore, #tpu.memory_space<semaphore_mem>>
        %dma_start3A_203 = tpu.memref_slice %arg3[%add3A_161] : memref<320000xi32, #tpu.memory_space<hbm>> -> memref<128xi32, #tpu.memory_space<hbm>>
        %dma_start3A_204 = tpu.memref_slice %arg3[%add3A_161] : memref<320000xi32, #tpu.memory_space<hbm>> -> memref<128xi32, #tpu.memory_space<hbm>>
        tpu.enqueue_dma source(%dma_start3A_204 : memref<128xi32, #tpu.memory_space<hbm>>) target(%arg6 : memref<128xi32, #tpu.memory_space<vmem>>) target_semaphore(%run_scoped3A : memref<!tpu.dma_semaphore, #tpu.memory_space<semaphore_mem>>)
        %dma_wait3A_205 = tpu.memref_slice %arg3[%add3A_161] : memref<320000xi32, #tpu.memory_space<hbm>> -> memref<128xi32, #tpu.memory_space<hbm>>
        %dma_wait3A_206 = tpu.memref_slice %arg3[%add3A_161] : memref<320000xi32, #tpu.memory_space<hbm>> -> memref<128xi32, #tpu.memory_space<hbm>>
        tpu.wait_dma2 semaphore(%run_scoped3A : memref<!tpu.dma_semaphore, #tpu.memory_space<semaphore_mem>>) src(%dma_wait3A_206 : memref<128xi32, #tpu.memory_space<hbm>>) dst(%arg6 : memref<128xi32, #tpu.memory_space<vmem>>)
        tpu.yield
      }) : () -> ()
      %dma_start3A_162 = arith.constant 0 : i32
      %dma_start3A_163 = arith.constant 0 : i32
      %dma_start3A_164 = tpu.memref_slice %arg5[%dma_start3A_162, %dma_start3A_163] : memref<10000x128xf32, #tpu.memory_space<vmem_shared>> -> memref<10000x128xf32, #tpu.memory_space<vmem_shared>>
      tpu.enqueue_indirect_dma source(%dma_start3A_164 : memref<10000x128xf32, #tpu.memory_space<vmem_shared>>) target(%arg9 : memref<128x128xf32, #tpu.memory_space<vmem>>) offsets(%arg6 : memref<128xi32, #tpu.memory_space<vmem>>) semaphore(%arg12 : memref<!tpu.dma_semaphore, #tpu.memory_space<semaphore_mem>>)
      %add3A_165 = arith.constant 1 : i32
      %add3A_166 = arith.addi %mul3A_103, %add3A_165 : i32
      %mul3A_167 = arith.constant 128 : i32
      %mul3A_168 = arith.muli %add3A_166, %mul3A_167 : i32
      %add3A_169 = arith.addi %mul3A_2, %mul3A_168 : i32
      %dma_wait3A_170 = arith.constant 0 : i32
      %dma_wait3A_171 = tpu.memref_slice %arg4[%add3A_169, %dma_wait3A_170] : memref<320000x128xf32, #tpu.memory_space<hbm>> -> memref<128x128xf32, #tpu.memory_space<hbm>>
      %dma_wait3A_172 = arith.constant 0 : i32
      %dma_wait3A_173 = tpu.memref_slice %arg4[%add3A_169, %dma_wait3A_172] : memref<320000x128xf32, #tpu.memory_space<hbm>> -> memref<128x128xf32, #tpu.memory_space<hbm>>
      tpu.wait_dma2 semaphore(%arg16 : memref<!tpu.dma_semaphore, #tpu.memory_space<semaphore_mem>>) src(%arg10 : memref<128x128xf32, #tpu.memory_space<vmem>>) dst(%dma_wait3A_173 : memref<128x128xf32, #tpu.memory_space<hbm>>)
      %add3A_174 = arith.constant 1 : i32
      %add3A_175 = arith.addi %mul3A_103, %add3A_174 : i32
      %add3A_176 = arith.constant 3 : i32
      %add3A_177 = arith.addi %add3A_175, %add3A_176 : i32
      %mul3A_178 = arith.constant 128 : i32
      %mul3A_179 = arith.muli %add3A_177, %mul3A_178 : i32
      %add3A_180 = arith.addi %mul3A_2, %mul3A_179 : i32
      "tpu.region"() ({
        %run_scoped3A = tpu.sem_alloc : memref<!tpu.dma_semaphore, #tpu.memory_space<semaphore_mem>>
        %dma_start3A_203 = tpu.memref_slice %arg3[%add3A_180] : memref<320000xi32, #tpu.memory_space<hbm>> -> memref<128xi32, #tpu.memory_space<hbm>>
        %dma_start3A_204 = tpu.memref_slice %arg3[%add3A_180] : memref<320000xi32, #tpu.memory_space<hbm>> -> memref<128xi32, #tpu.memory_space<hbm>>
        tpu.enqueue_dma source(%dma_start3A_204 : memref<128xi32, #tpu.memory_space<hbm>>) target(%arg7 : memref<128xi32, #tpu.memory_space<vmem>>) target_semaphore(%run_scoped3A : memref<!tpu.dma_semaphore, #tpu.memory_space<semaphore_mem>>)
        %dma_wait3A_205 = tpu.memref_slice %arg3[%add3A_180] : memref<320000xi32, #tpu.memory_space<hbm>> -> memref<128xi32, #tpu.memory_space<hbm>>
        %dma_wait3A_206 = tpu.memref_slice %arg3[%add3A_180] : memref<320000xi32, #tpu.memory_space<hbm>> -> memref<128xi32, #tpu.memory_space<hbm>>
        tpu.wait_dma2 semaphore(%run_scoped3A : memref<!tpu.dma_semaphore, #tpu.memory_space<semaphore_mem>>) src(%dma_wait3A_206 : memref<128xi32, #tpu.memory_space<hbm>>) dst(%arg7 : memref<128xi32, #tpu.memory_space<vmem>>)
        tpu.yield
      }) : () -> ()
      %dma_start3A_181 = arith.constant 0 : i32
      %dma_start3A_182 = arith.constant 0 : i32
      %dma_start3A_183 = tpu.memref_slice %arg5[%dma_start3A_181, %dma_start3A_182] : memref<10000x128xf32, #tpu.memory_space<vmem_shared>> -> memref<10000x128xf32, #tpu.memory_space<vmem_shared>>
      tpu.enqueue_indirect_dma source(%dma_start3A_183 : memref<10000x128xf32, #tpu.memory_space<vmem_shared>>) target(%arg10 : memref<128x128xf32, #tpu.memory_space<vmem>>) offsets(%arg7 : memref<128xi32, #tpu.memory_space<vmem>>) semaphore(%arg13 : memref<!tpu.dma_semaphore, #tpu.memory_space<semaphore_mem>>)
      %add3A_184 = arith.constant 2 : i32
      %add3A_185 = arith.addi %mul3A_103, %add3A_184 : i32
      %mul3A_186 = arith.constant 128 : i32
      %mul3A_187 = arith.muli %add3A_185, %mul3A_186 : i32
      %add3A_188 = arith.addi %mul3A_2, %mul3A_187 : i32
      %dma_wait3A_189 = arith.constant 0 : i32
      %dma_wait3A_190 = tpu.memref_slice %arg4[%add3A_188, %dma_wait3A_189] : memref<320000x128xf32, #tpu.memory_space<hbm>> -> memref<128x128xf32, #tpu.memory_space<hbm>>
      %dma_wait3A_191 = arith.constant 0 : i32
      %dma_wait3A_192 = tpu.memref_slice %arg4[%add3A_188, %dma_wait3A_191] : memref<320000x128xf32, #tpu.memory_space<hbm>> -> memref<128x128xf32, #tpu.memory_space<hbm>>
      tpu.wait_dma2 semaphore(%arg17 : memref<!tpu.dma_semaphore, #tpu.memory_space<semaphore_mem>>) src(%arg11 : memref<128x128xf32, #tpu.memory_space<vmem>>) dst(%dma_wait3A_192 : memref<128x128xf32, #tpu.memory_space<hbm>>)
      %add3A_193 = arith.constant 2 : i32
      %add3A_194 = arith.addi %mul3A_103, %add3A_193 : i32
      %add3A_195 = arith.constant 3 : i32
      %add3A_196 = arith.addi %add3A_194, %add3A_195 : i32
      %mul3A_197 = arith.constant 128 : i32
      %mul3A_198 = arith.muli %add3A_196, %mul3A_197 : i32
      %add3A_199 = arith.addi %mul3A_2, %mul3A_198 : i32
      "tpu.region"() ({
        %run_scoped3A = tpu.sem_alloc : memref<!tpu.dma_semaphore, #tpu.memory_space<semaphore_mem>>
        %dma_start3A_203 = tpu.memref_slice %arg3[%add3A_199] : memref<320000xi32, #tpu.memory_space<hbm>> -> memref<128xi32, #tpu.memory_space<hbm>>
        %dma_start3A_204 = tpu.memref_slice %arg3[%add3A_199] : memref<320000xi32, #tpu.memory_space<hbm>> -> memref<128xi32, #tpu.memory_space<hbm>>
        tpu.enqueue_dma source(%dma_start3A_204 : memref<128xi32, #tpu.memory_space<hbm>>) target(%arg8 : memref<128xi32, #tpu.memory_space<vmem>>) target_semaphore(%run_scoped3A : memref<!tpu.dma_semaphore, #tpu.memory_space<semaphore_mem>>)
        %dma_wait3A_205 = tpu.memref_slice %arg3[%add3A_199] : memref<320000xi32, #tpu.memory_space<hbm>> -> memref<128xi32, #tpu.memory_space<hbm>>
        %dma_wait3A_206 = tpu.memref_slice %arg3[%add3A_199] : memref<320000xi32, #tpu.memory_space<hbm>> -> memref<128xi32, #tpu.memory_space<hbm>>
        tpu.wait_dma2 semaphore(%run_scoped3A : memref<!tpu.dma_semaphore, #tpu.memory_space<semaphore_mem>>) src(%dma_wait3A_206 : memref<128xi32, #tpu.memory_space<hbm>>) dst(%arg8 : memref<128xi32, #tpu.memory_space<vmem>>)
        tpu.yield
      }) : () -> ()
      %dma_start3A_200 = arith.constant 0 : i32
      %dma_start3A_201 = arith.constant 0 : i32
      %dma_start3A_202 = tpu.memref_slice %arg5[%dma_start3A_200, %dma_start3A_201] : memref<10000x128xf32, #tpu.memory_space<vmem_shared>> -> memref<10000x128xf32, #tpu.memory_space<vmem_shared>>
      tpu.enqueue_indirect_dma source(%dma_start3A_202 : memref<10000x128xf32, #tpu.memory_space<vmem_shared>>) target(%arg11 : memref<128x128xf32, #tpu.memory_space<vmem>>) offsets(%arg8 : memref<128xi32, #tpu.memory_space<vmem>>) semaphore(%arg14 : memref<!tpu.dma_semaphore, #tpu.memory_space<semaphore_mem>>)
    }
    %scan3A_37 = arith.constant 25 : i32
    %dma_wait3A_38 = arith.constant 0 : i32
    %dma_wait3A_39 = arith.constant 0 : i32
    %dma_wait3A_40 = tpu.memref_slice %arg5[%dma_wait3A_38, %dma_wait3A_39] : memref<10000x128xf32, #tpu.memory_space<vmem_shared>> -> memref<10000x128xf32, #tpu.memory_space<vmem_shared>>
    tpu.wait_indirect_dma semaphore(%arg12 : memref<!tpu.dma_semaphore, #tpu.memory_space<semaphore_mem>>) src(%dma_wait3A_40 : memref<10000x128xf32, #tpu.memory_space<vmem_shared>>) dst(%arg9 : memref<128x128xf32, #tpu.memory_space<vmem>>)
    %add3A_41 = arith.constant 9600 : i32
    %add3A_42 = arith.addi %mul3A_2, %add3A_41 : i32
    %dma_start3A_43 = arith.constant 0 : i32
    %dma_start3A_44 = tpu.memref_slice %arg4[%add3A_42, %dma_start3A_43] : memref<320000x128xf32, #tpu.memory_space<hbm>> -> memref<128x128xf32, #tpu.memory_space<hbm>>
    %dma_start3A_45 = arith.constant 0 : i32
    %dma_start3A_46 = tpu.memref_slice %arg4[%add3A_42, %dma_start3A_45] : memref<320000x128xf32, #tpu.memory_space<hbm>> -> memref<128x128xf32, #tpu.memory_space<hbm>>
    tpu.enqueue_dma source(%arg9 : memref<128x128xf32, #tpu.memory_space<vmem>>) target(%dma_start3A_46 : memref<128x128xf32, #tpu.memory_space<hbm>>) target_semaphore(%arg15 : memref<!tpu.dma_semaphore, #tpu.memory_space<semaphore_mem>>)
    %dma_wait3A_47 = arith.constant 0 : i32
    %dma_wait3A_48 = arith.constant 0 : i32
    %dma_wait3A_49 = tpu.memref_slice %arg5[%dma_wait3A_47, %dma_wait3A_48] : memref<10000x128xf32, #tpu.memory_space<vmem_shared>> -> memref<10000x128xf32, #tpu.memory_space<vmem_shared>>
    tpu.wait_indirect_dma semaphore(%arg13 : memref<!tpu.dma_semaphore, #tpu.memory_space<semaphore_mem>>) src(%dma_wait3A_49 : memref<10000x128xf32, #tpu.memory_space<vmem_shared>>) dst(%arg10 : memref<128x128xf32, #tpu.memory_space<vmem>>)
    %add3A_50 = arith.constant 9728 : i32
    %add3A_51 = arith.addi %mul3A_2, %add3A_50 : i32
    %dma_start3A_52 = arith.constant 0 : i32
    %dma_start3A_53 = tpu.memref_slice %arg4[%add3A_51, %dma_start3A_52] : memref<320000x128xf32, #tpu.memory_space<hbm>> -> memref<128x128xf32, #tpu.memory_space<hbm>>
    %dma_start3A_54 = arith.constant 0 : i32
    %dma_start3A_55 = tpu.memref_slice %arg4[%add3A_51, %dma_start3A_54] : memref<320000x128xf32, #tpu.memory_space<hbm>> -> memref<128x128xf32, #tpu.memory_space<hbm>>
    tpu.enqueue_dma source(%arg10 : memref<128x128xf32, #tpu.memory_space<vmem>>) target(%dma_start3A_55 : memref<128x128xf32, #tpu.memory_space<hbm>>) target_semaphore(%arg16 : memref<!tpu.dma_semaphore, #tpu.memory_space<semaphore_mem>>)
    %dma_wait3A_56 = arith.constant 0 : i32
    %dma_wait3A_57 = arith.constant 0 : i32
    %dma_wait3A_58 = tpu.memref_slice %arg5[%dma_wait3A_56, %dma_wait3A_57] : memref<10000x128xf32, #tpu.memory_space<vmem_shared>> -> memref<10000x128xf32, #tpu.memory_space<vmem_shared>>
    tpu.wait_indirect_dma semaphore(%arg14 : memref<!tpu.dma_semaphore, #tpu.memory_space<semaphore_mem>>) src(%dma_wait3A_58 : memref<10000x128xf32, #tpu.memory_space<vmem_shared>>) dst(%arg11 : memref<128x128xf32, #tpu.memory_space<vmem>>)
    %add3A_59 = arith.constant 9856 : i32
    %add3A_60 = arith.addi %mul3A_2, %add3A_59 : i32
    %dma_start3A_61 = arith.constant 0 : i32
    %dma_start3A_62 = tpu.memref_slice %arg4[%add3A_60, %dma_start3A_61] : memref<320000x128xf32, #tpu.memory_space<hbm>> -> memref<128x128xf32, #tpu.memory_space<hbm>>
    %dma_start3A_63 = arith.constant 0 : i32
    %dma_start3A_64 = tpu.memref_slice %arg4[%add3A_60, %dma_start3A_63] : memref<320000x128xf32, #tpu.memory_space<hbm>> -> memref<128x128xf32, #tpu.memory_space<hbm>>
    tpu.enqueue_dma source(%arg11 : memref<128x128xf32, #tpu.memory_space<vmem>>) target(%dma_start3A_64 : memref<128x128xf32, #tpu.memory_space<hbm>>) target_semaphore(%arg17 : memref<!tpu.dma_semaphore, #tpu.memory_space<semaphore_mem>>)
    %add3A_65 = arith.constant 9600 : i32
    %add3A_66 = arith.addi %mul3A_2, %add3A_65 : i32
    %dma_wait3A_67 = arith.constant 0 : i32
    %dma_wait3A_68 = tpu.memref_slice %arg4[%add3A_66, %dma_wait3A_67] : memref<320000x128xf32, #tpu.memory_space<hbm>> -> memref<128x128xf32, #tpu.memory_space<hbm>>
    %dma_wait3A_69 = arith.constant 0 : i32
    %dma_wait3A_70 = tpu.memref_slice %arg4[%add3A_66, %dma_wait3A_69] : memref<320000x128xf32, #tpu.memory_space<hbm>> -> memref<128x128xf32, #tpu.memory_space<hbm>>
    tpu.wait_dma2 semaphore(%arg15 : memref<!tpu.dma_semaphore, #tpu.memory_space<semaphore_mem>>) src(%arg9 : memref<128x128xf32, #tpu.memory_space<vmem>>) dst(%dma_wait3A_70 : memref<128x128xf32, #tpu.memory_space<hbm>>)
    %add3A_71 = arith.constant 9728 : i32
    %add3A_72 = arith.addi %mul3A_2, %add3A_71 : i32
    %dma_wait3A_73 = arith.constant 0 : i32
    %dma_wait3A_74 = tpu.memref_slice %arg4[%add3A_72, %dma_wait3A_73] : memref<320000x128xf32, #tpu.memory_space<hbm>> -> memref<128x128xf32, #tpu.memory_space<hbm>>
    %dma_wait3A_75 = arith.constant 0 : i32
    %dma_wait3A_76 = tpu.memref_slice %arg4[%add3A_72, %dma_wait3A_75] : memref<320000x128xf32, #tpu.memory_space<hbm>> -> memref<128x128xf32, #tpu.memory_space<hbm>>
    tpu.wait_dma2 semaphore(%arg16 : memref<!tpu.dma_semaphore, #tpu.memory_space<semaphore_mem>>) src(%arg10 : memref<128x128xf32, #tpu.memory_space<vmem>>) dst(%dma_wait3A_76 : memref<128x128xf32, #tpu.memory_space<hbm>>)
    %add3A_77 = arith.constant 9856 : i32
    %add3A_78 = arith.addi %mul3A_2, %add3A_77 : i32
    %dma_wait3A_79 = arith.constant 0 : i32
    %dma_wait3A_80 = tpu.memref_slice %arg4[%add3A_78, %dma_wait3A_79] : memref<320000x128xf32, #tpu.memory_space<hbm>> -> memref<128x128xf32, #tpu.memory_space<hbm>>
    %dma_wait3A_81 = arith.constant 0 : i32
    %dma_wait3A_82 = tpu.memref_slice %arg4[%add3A_78, %dma_wait3A_81] : memref<320000x128xf32, #tpu.memory_space<hbm>> -> memref<128x128xf32, #tpu.memory_space<hbm>>
    tpu.wait_dma2 semaphore(%arg17 : memref<!tpu.dma_semaphore, #tpu.memory_space<semaphore_mem>>) src(%arg11 : memref<128x128xf32, #tpu.memory_space<vmem>>) dst(%dma_wait3A_82 : memref<128x128xf32, #tpu.memory_space<hbm>>)
    %add3A_83 = arith.constant 9984 : i32
    %add3A_84 = arith.addi %mul3A_2, %add3A_83 : i32
    "tpu.region"() ({
      %run_scoped3A = tpu.sem_alloc : memref<!tpu.dma_semaphore, #tpu.memory_space<semaphore_mem>>
      %dma_start3A_101 = arith.constant 0 : i32
      %dma_start3A_102 = tpu.memref_slice %arg6[%dma_start3A_101] : memref<128xi32, #tpu.memory_space<vmem>> -> memref<16xi32, #tpu.memory_space<vmem>>
      %dma_start3A_103 = tpu.memref_slice %arg3[%add3A_84] : memref<320000xi32, #tpu.memory_space<hbm>> -> memref<16xi32, #tpu.memory_space<hbm>>
      %dma_start3A_104 = arith.constant 0 : i32
      %dma_start3A_105 = tpu.memref_slice %arg6[%dma_start3A_104] : memref<128xi32, #tpu.memory_space<vmem>> -> memref<16xi32, #tpu.memory_space<vmem>>
      %dma_start3A_106 = tpu.memref_slice %arg3[%add3A_84] : memref<320000xi32, #tpu.memory_space<hbm>> -> memref<16xi32, #tpu.memory_space<hbm>>
      tpu.enqueue_dma source(%dma_start3A_106 : memref<16xi32, #tpu.memory_space<hbm>>) target(%dma_start3A_105 : memref<16xi32, #tpu.memory_space<vmem>>) target_semaphore(%run_scoped3A : memref<!tpu.dma_semaphore, #tpu.memory_space<semaphore_mem>>)
      %dma_wait3A_107 = arith.constant 0 : i32
      %dma_wait3A_108 = tpu.memref_slice %arg6[%dma_wait3A_107] : memref<128xi32, #tpu.memory_space<vmem>> -> memref<16xi32, #tpu.memory_space<vmem>>
      %dma_wait3A_109 = tpu.memref_slice %arg3[%add3A_84] : memref<320000xi32, #tpu.memory_space<hbm>> -> memref<16xi32, #tpu.memory_space<hbm>>
      %dma_wait3A_110 = arith.constant 0 : i32
      %dma_wait3A_111 = tpu.memref_slice %arg6[%dma_wait3A_110] : memref<128xi32, #tpu.memory_space<vmem>> -> memref<16xi32, #tpu.memory_space<vmem>>
      %dma_wait3A_112 = tpu.memref_slice %arg3[%add3A_84] : memref<320000xi32, #tpu.memory_space<hbm>> -> memref<16xi32, #tpu.memory_space<hbm>>
      tpu.wait_dma2 semaphore(%run_scoped3A : memref<!tpu.dma_semaphore, #tpu.memory_space<semaphore_mem>>) src(%dma_wait3A_112 : memref<16xi32, #tpu.memory_space<hbm>>) dst(%dma_wait3A_111 : memref<16xi32, #tpu.memory_space<vmem>>)
      tpu.yield
    }) : () -> ()
    %dma_start3A_85 = arith.constant 0 : i32
    %dma_start3A_86 = arith.constant 0 : i32
    %dma_start3A_87 = tpu.memref_slice %arg9[%dma_start3A_85, %dma_start3A_86] : memref<128x128xf32, #tpu.memory_space<vmem>> -> memref<16x128xf32, #tpu.memory_space<vmem>>
    %dma_start3A_88 = arith.constant 0 : i32
    %dma_start3A_89 = tpu.memref_slice %arg6[%dma_start3A_88] : memref<128xi32, #tpu.memory_space<vmem>> -> memref<16xi32, #tpu.memory_space<vmem>>
    %dma_start3A_90 = arith.constant 0 : i32
    %dma_start3A_91 = arith.constant 0 : i32
    %dma_start3A_92 = tpu.memref_slice %arg5[%dma_start3A_90, %dma_start3A_91] : memref<10000x128xf32, #tpu.memory_space<vmem_shared>> -> memref<10000x128xf32, #tpu.memory_space<vmem_shared>>
    tpu.enqueue_indirect_dma source(%dma_start3A_92 : memref<10000x128xf32, #tpu.memory_space<vmem_shared>>) target(%dma_start3A_87 : memref<16x128xf32, #tpu.memory_space<vmem>>) offsets(%dma_start3A_89 : memref<16xi32, #tpu.memory_space<vmem>>) semaphore(%arg12 : memref<!tpu.dma_semaphore, #tpu.memory_space<semaphore_mem>>)
    %dma_wait3A_93 = arith.constant 0 : i32
    %dma_wait3A_94 = arith.constant 0 : i32
    %dma_wait3A_95 = tpu.memref_slice %arg9[%dma_wait3A_93, %dma_wait3A_94] : memref<128x128xf32, #tpu.memory_space<vmem>> -> memref<16x128xf32, #tpu.memory_space<vmem>>
    %dma_wait3A_96 = arith.constant 0 : i32
    %dma_wait3A_97 = tpu.memref_slice %arg6[%dma_wait3A_96] : memref<128xi32, #tpu.memory_space<vmem>> -> memref<16xi32, #tpu.memory_space<vmem>>
    %dma_wait3A_98 = arith.constant 0 : i32
    %dma_wait3A_99 = arith.constant 0 : i32
    %dma_wait3A_100 = tpu.memref_slice %arg5[%dma_wait3A_98, %dma_wait3A_99] : memref<10000x128xf32, #tpu.memory_space<vmem_shared>> -> memref<10000x128xf32, #tpu.memory_space<vmem_shared>>
    tpu.wait_indirect_dma semaphore(%arg12 : memref<!tpu.dma_semaphore, #tpu.memory_space<semaphore_mem>>) src(%dma_wait3A_100 : memref<10000x128xf32, #tpu.memory_space<vmem_shared>>) dst(%dma_wait3A_95 : memref<16x128xf32, #tpu.memory_space<vmem>>)
    "tpu.region"() ({
      %run_scoped3A = tpu.sem_alloc : memref<!tpu.dma_semaphore, #tpu.memory_space<semaphore_mem>>
      %dma_start3A_101 = arith.constant 0 : i32
      %dma_start3A_102 = arith.constant 0 : i32
      %dma_start3A_103 = tpu.memref_slice %arg9[%dma_start3A_101, %dma_start3A_102] : memref<128x128xf32, #tpu.memory_space<vmem>> -> memref<16x128xf32, #tpu.memory_space<vmem>>
      %dma_start3A_104 = arith.constant 0 : i32
      %dma_start3A_105 = tpu.memref_slice %arg4[%add3A_84, %dma_start3A_104] : memref<320000x128xf32, #tpu.memory_space<hbm>> -> memref<16x128xf32, #tpu.memory_space<hbm>>
      %dma_start3A_106 = arith.constant 0 : i32
      %dma_start3A_107 = tpu.memref_slice %arg4[%add3A_84, %dma_start3A_106] : memref<320000x128xf32, #tpu.memory_space<hbm>> -> memref<16x128xf32, #tpu.memory_space<hbm>>
      %dma_start3A_108 = arith.constant 0 : i32
      %dma_start3A_109 = arith.constant 0 : i32
      %dma_start3A_110 = tpu.memref_slice %arg9[%dma_start3A_108, %dma_start3A_109] : memref<128x128xf32, #tpu.memory_space<vmem>> -> memref<16x128xf32, #tpu.memory_space<vmem>>
      tpu.enqueue_dma source(%dma_start3A_110 : memref<16x128xf32, #tpu.memory_space<vmem>>) target(%dma_start3A_107 : memref<16x128xf32, #tpu.memory_space<hbm>>) target_semaphore(%run_scoped3A : memref<!tpu.dma_semaphore, #tpu.memory_space<semaphore_mem>>)
      %dma_wait3A_111 = arith.constant 0 : i32
      %dma_wait3A_112 = arith.constant 0 : i32
      %dma_wait3A_113 = tpu.memref_slice %arg9[%dma_wait3A_111, %dma_wait3A_112] : memref<128x128xf32, #tpu.memory_space<vmem>> -> memref<16x128xf32, #tpu.memory_space<vmem>>
      %dma_wait3A_114 = arith.constant 0 : i32
      %dma_wait3A_115 = tpu.memref_slice %arg4[%add3A_84, %dma_wait3A_114] : memref<320000x128xf32, #tpu.memory_space<hbm>> -> memref<16x128xf32, #tpu.memory_space<hbm>>
      %dma_wait3A_116 = arith.constant 0 : i32
      %dma_wait3A_117 = tpu.memref_slice %arg4[%add3A_84, %dma_wait3A_116] : memref<320000x128xf32, #tpu.memory_space<hbm>> -> memref<16x128xf32, #tpu.memory_space<hbm>>
      %dma_wait3A_118 = arith.constant 0 : i32
      %dma_wait3A_119 = arith.constant 0 : i32
      %dma_wait3A_120 = tpu.memref_slice %arg9[%dma_wait3A_118, %dma_wait3A_119] : memref<128x128xf32, #tpu.memory_space<vmem>> -> memref<16x128xf32, #tpu.memory_space<vmem>>
      tpu.wait_dma2 semaphore(%run_scoped3A : memref<!tpu.dma_semaphore, #tpu.memory_space<semaphore_mem>>) src(%dma_wait3A_120 : memref<16x128xf32, #tpu.memory_space<vmem>>) dst(%dma_wait3A_117 : memref<16x128xf32, #tpu.memory_space<hbm>>)
      tpu.yield
    }) : () -> ()
    return
  }
}

</mosaic_0001>

<sc_bundles>
// kernel: sc_edge_gather.3.cloned.1.call-start
scs
__scs_entry_jumppad:
0x0: {  	(pc) =	sbr.rel $0x88, $3  }
0x1: {  	(tag) =	ssettag $0x0;
	lr =	simm.s32 $0x1  }
0x2: {  	[smem:$0x3F9F] =	sst lr;
	_ =	strace $0xD0000000  }
0x3: {  	_ = 	snop  }
0x4: {  	_ = 	snop  }
0x5: {  	_ = 	snop  }
0x6: {  	_ = 	snop  }
0x7: {  	_ = 	snop  }
__scs_overlays_trampoline_lowered:
0x8: {  	[smem:$0x3FAE] =	sst s0  }
0x9: {  	[smem:$0x3FAF] =	sst s1  }
0xa: {  	[smem:$0x3FB0] =	sst s2  }
0xb: {  	[smem:$0x3FB1] =	sst s3  }
0xc: {  	[smem:$0x3FB2] =	sst s4  }
0xd: {  	[smem:$0x3FB3] =	sst s5  }
0xe: {  	[smem:$0x3FB4] =	sst s6  }
0xf: {  	[smem:$0x3FB5] =	sst s7  }
0x10: {  	[smem:$0x3FB6] =	sst s8  }
0x11: {  	[smem:$0x3FB7] =	sst s9;
	s0 =	simm.s32 @!p0 $0x0  }
0x12: {  	s1 =	sld [smem:$0x3F9D];
	s0 =	simm.s32 @p0 $0x1  }
0x13: {  	[smem:$0x3FB8] =	sst s0;
	s0 =	simm.s32 @!p1 $0x0  }
0x14: {  	s2 =	sld [smem:$0x3F9C];
	s0 =	simm.s32 @p1 $0x1  }
0x15: {  	[smem:$0x3FB9] =	sst s0;
	s0 =	simm.s32 @!p2 $0x0  }
0x16: {  	s3 =	sld [smem:$0x3FDB];
	s0 =	simm.s32 @p2 $0x1  }
0x17: {  	s4 =	simm.s32 $0x1BF5;
	[smem:$0x3FBB] =	sst s0  }
0x18: {  	s0 =	sld [smem:$0x3F9E];
	_ =	swait.ge [sflag:s4], $0x0  }
0x19: {  	s7 =	sld [smem:$0x3F9F]  }
0x1a: {  	s8 =	sadd.s32 $0xFFFFE003, lr  }
0x1b: {  	s9 =	sadd.s32 $0xFFFFFEF7, lr;
	s5 =	simm.s32 $0xFFFFFFFF;
	p2 =	slt.u32 s8, $0xFFFFF086  }
0x1c: {  	p1 =	slt.u32 s9, $0xF7A;
	s5 =	simm.s32 @!p2 $0x0  }
0x1d: {  	s5 =	simm.s32 @p1 $0x1;
	p0 =	seq.s32 s7, s2  }
0x1e: {  	s7 =	smul.u32 @!p0 $0xF7A, s2;
	p2 =	seq.s32 @!p0 s5, $0x0  }
0x1f: {  	s9 =	smul.u32 $0xF7A, s1;
	s8 =	simm.s32 @!p0 $0x1BF5;
	p2 =	por !p2, p0  }
0x20: {  	[sflag:s8] =	ssyncset.s32 @!p0 $0xFFFFF086;
	s6 =	sadd.s32 @!p0 s3, s7;
	s7 =	simm.s32 @!p0 $0x108  }
0x21: {  	s3 =	sadd.s32 s3, s9;
	s6 =	sadd.s32 @!p0 $0x88, s6;
	s7 =	simm.s32 @p2 $0x1082  }
0x22: {  	[simem:s7], [sflag:s8] =	dma.local @!p0 [hbm:s6], $0xF7A  }
0x23: {  	s9 =	sor.u32 $0xD0000000, s2;
	s6 =	simm.s32 $0x108;
	_ =	swait.ge @!p0 [sflag:s8], $0x0  }
0x24: {  	s3 =	sadd.s32 $0x88, s3;
	s6 =	simm.s32 @!p1 $0x1082;
	[sflag:s4] =	ssyncset.s32 $0xFFFFF086  }
0x25: {  	[simem:s6], [sflag:s4] =	dma.local [hbm:s3], $0xF7A  }
0x26: {  	[smem:$0x3F9F] =	sst s1;
	(tag) =	ssettag s2;
	_ =	strace s9  }
0x27: {  	s1 =	sld [smem:$0x3FAF]  }
0x28: {  	s2 =	sld [smem:$0x3FB0]  }
0x29: {  	s4 =	sld [smem:$0x3FB2]  }
0x2a: {  	p0 =	seq.s32 s5, $0x0;
	s5 =	sld [smem:$0x3FB3]  }
0x2b: {  	s6 =	sld [smem:$0x3FB4]  }
0x2c: {  	s7 =	sld [smem:$0x3FB5]  }
0x2d: {  	s3 =	simm.s32 $0x108;
	s8 =	sld [smem:$0x3FB6]  }
0x2e: {  	s3 =	simm.s32 @!p0 $0x1082;
	s9 =	sld [smem:$0x3FB7]  }
0x2f: {  	lr =	sadd.s32 s0, s3;
	s0 =	sld [smem:$0x3FAE]  }
0x30: {  	s3 =	sld [smem:$0x3FB1]  }
0x31: {  	[smem:$0x3FBA] =	sst s10  }
0x32: {  	s10 =	sld [smem:$0x3FB8];
	_ =	sdelay $0x3  }
0x33: {  	p0 =	seq.s32 s10, $0x1;
	s10 =	sld [smem:$0x3FBA];
	_ =	sdelay $0x3  }
0x34: {  	[smem:$0x3FBA] =	sst s10  }
0x35: {  	s10 =	sld [smem:$0x3FB9];
	_ =	sdelay $0x3  }
0x36: {  	p1 =	seq.s32 s10, $0x1;
	s10 =	sld [smem:$0x3FBA];
	_ =	sdelay $0x3  }
0x37: {  	[smem:$0x3FBA] =	sst s10  }
0x38: {  	s10 =	sld [smem:$0x3FBB]  }
0x39: {  	_ = 	snop;
	(pc) =	sbr.ind lr, $3  }
0x3a: {  	_ = 	snop  }
0x3b: {  	_ = 	snop  }
0x3c: {  	p2 =	seq.s32 s10, $0x1;
	s10 =	sld [smem:$0x3FBA]  }
0x3d: {  	_ =	shalt  }
0x3e: {  	_ =	shalt  }
0x3f: {  	_ =	shalt  }
0x40: {  	_ =	shalt  }
0x41: {  	_ =	shalt  }
0x42: {  	_ =	shalt  }
0x43: {  	_ =	shalt  }
0x44: {  	_ =	shalt  }
0x45: {  	_ =	shalt  }
0x46: {  	_ =	shalt  }
0x47: {  	_ =	shalt  }
0x48: {  	_ =	shalt  }
0x49: {  	_ =	shalt  }
0x4a: {  	_ =	shalt  }
0x4b: {  	_ =	shalt  }
0x4c: {  	_ =	shalt  }
0x4d: {  	_ =	shalt  }
0x4e: {  	_ =	shalt  }
0x4f: {  	_ =	shalt  }
0x50: {  	_ =	shalt  }
0x51: {  	_ =	shalt  }
0x52: {  	_ =	shalt  }
0x53: {  	_ =	shalt  }
0x54: {  	_ =	shalt  }
0x55: {  	_ =	shalt  }
0x56: {  	_ =	shalt  }
0x57: {  	_ =	shalt  }
0x58: {  	_ =	shalt  }
0x59: {  	_ =	shalt  }
0x5a: {  	_ =	shalt  }
0x5b: {  	_ =	shalt  }
0x5c: {  	_ =	shalt  }
0x5d: {  	_ =	shalt  }
0x5e: {  	_ =	shalt  }
0x5f: {  	_ =	shalt  }
0x60: {  	_ =	shalt  }
0x61: {  	_ =	shalt  }
0x62: {  	_ =	shalt  }
0x63: {  	_ =	shalt  }
0x64: {  	_ =	shalt  }
0x65: {  	_ =	shalt  }
0x66: {  	_ =	shalt  }
0x67: {  	_ =	shalt  }
0x68: {  	_ =	shalt  }
0x69: {  	_ =	shalt  }
0x6a: {  	_ =	shalt  }
0x6b: {  	_ =	shalt  }
0x6c: {  	_ =	shalt  }
0x6d: {  	_ =	shalt  }
0x6e: {  	_ =	shalt  }
0x6f: {  	_ =	shalt  }
0x70: {  	_ =	shalt  }
0x71: {  	_ =	shalt  }
0x72: {  	_ =	shalt  }
0x73: {  	_ =	shalt  }
0x74: {  	_ =	shalt  }
0x75: {  	_ =	shalt  }
0x76: {  	_ =	shalt  }
0x77: {  	_ =	shalt  }
0x78: {  	_ =	shalt  }
0x79: {  	_ =	shalt  }
0x7a: {  	_ =	shalt  }
0x7b: {  	_ =	shalt  }
0x7c: {  	_ =	shalt  }
0x7d: {  	_ =	shalt  }
0x7e: {  	_ =	shalt  }
0x7f: {  	_ =	shalt  }
0x80: {  	_ =	shalt  }
0x81: {  	_ =	shalt  }
0x82: {  	_ =	shalt  }
0x83: {  	_ =	shalt  }
0x84: {  	_ =	shalt  }
0x85: {  	_ =	shalt  }
0x86: {  	_ =	shalt  }
0x87: {  	_ =	shalt  }
.Lfunc_end0:
.L_simem_size_0:
called_computation_lowered:
.L_overlay_start_0:
0x88: {  	s2 =	sld [smem:$0x3FD9]  }
0x89: {  	s3 =	sld [smem:$0x3FFE];
	_ =	sdelay $0x1  }
0x8a: {  	s1 =	srdreg.scid  }
0x8b: {  	s0 =	sand.u32 $0x1, s1  }
0x8c: {  	s17 =	sshll.u32 s0, $0xA;
	s2 =	sadd.s32 s3, s2  }
0x8d: {  	s2 =	sadd.s32 s2, s17  }
0x8e: {  	[smem:$0x3FC6] =	sst s2  }
0x8f: {  	_ = 	snop  }
0x90: {  	s2 =	sld [smem:$0x3FC9]  }
0x91: {  	s18 =	sld [smem:$0x3FD0];
	(tm) =	ssettm $0x1  }
0x92: {  	s4 =	sld [smem:$0x3FFB];
	_ =	sdelay $0x3  }
0x93: {  	_ =	strace s4  }
0x94: {  	s4 =	sld [smem:$0x3FFC];
	_ =	sdelay $0x3  }
0x95: {  	_ =	strace s4  }
0x96: {  	s4 =	sld [smem:$0x3FFD];
	_ =	sdelay $0x3  }
0x97: {  	_ =	strace s4  }
0x98: {  	_ =	strace $0x8FFFFFFF  }
0x99: {  	s19 =	sld [smem:$0x3FDB];
	_ =	sdelay $0x1  }
0x9a: {  	s5 =	simm.s32 $_scs_section_size  }
0x9b: {  	s6 =	simm.s32 $_size__tile_overlayer_lowered;
	s7 =	simm.s32 $_tile_overlayer_lowered  }
0x9c: {  	s22 =	simm.s32 $0x1BFF;
	s21 =	sshll.u32 s7, $0x1;
	s4 =	sadd.s32 s5, s19  }
0x9d: {  	s8 =	simm.s32 $0x0;
	s20 =	sshll.u32 s6, $0x1;
	s6 =	sadd.s32 s21, s4  }
0x9e: {  	[timem:s8], [sflag:s22] =	dma.local [hbm:s6], s20  }
0x9f: {  	_ =	swait.ge [sflag:s22], s20  }
0xa0: {  	s5 =	ssub.s32 $0x0, s20;
	[sflag:s22] =	ssyncset.done $0x0  }
0xa1: {  	[sflag:s22] =	ssyncadd.s32 s5;
	_ =	sdelay $0x1  }
0xa2: {  	s23 =	simm.s32 $0x1B8B  }
0xa3: {  	_ =	swait.ge [sflag:s23], $0x1  }
0xa4: {  	[sflag:s23] =	ssyncset.done $0x0  }
0xa5: {  	s25 =	simm.s32 $0x1B8E;
	s24 =	sld [smem:$0x3FFE];
	[sflag:s23] =	ssyncadd.s32 $0xFFFFFFFF  }
0xa6: {  	s26 =	simm.s32 $execute0_lowered;
	[smem:$0x3FD2] =	sst s25  }
0xa7: {  	s6 =	sshll.u32 s26, $0x1;
	_ =	strace $0x80000046;
	[dreg:$0x1] =	wrdreg $0xFFFFFFFF  }
0xa8: {  	s28 =	simm.s32 $_size_execute0_lowered;
	s4 =	sadd.s32 s4, s6;
	[dreg:$0x0] =	wrdreg $0x0  }
0xa9: {  	s6 =	sshll.u32 s28, $0x1;
	[dreg:$0x2] =	wrdreg s4  }
0xaa: {  	[dreg:$0x3] =	wrdreg s6  }
0xab: {  	[dreg:$0x4] =	wrdreg $0xC0  }
0xac: {  	_ =	task [dreg:s8], $0x5FFFF  }
0xad: {  	[dreg:$0x1] =	wrdreg $0xFFFFFFFF  }
0xae: {  	[dreg:$0x0] =	wrdreg $0x60  }
0xaf: {  	[dreg:$0x2] =	wrdreg s2  }
0xb0: {  	[dreg:$0x3] =	wrdreg s24  }
0xb1: {  	[dreg:$0x4] =	wrdreg s18  }
0xb2: {  	[dreg:$0x5] =	wrdreg $0x0  }
0xb3: {  	[dreg:$0x6] =	wrdreg $0x9  }
0xb4: {  	_ =	task.clear_ibuf [dreg:s8], $0x7FFFF;
	_ =	strace $0x90000046  }
0xb5: {  	s29 =	simm.s32 $0x9;
	_ =	strace $0x80000048  }
0xb6: {  	_ =	swait.ge [sflag:s29], $0x1  }
0xb7: {  	[sflag:s29] =	ssyncadd.s32 $0xFFFFFFFF  }
0xb8: {  	_ =	strace $0x90000048  }
0xb9: {  	_ =	sfence  }
0xba: {  	s30 =	sld [smem:$0x0];
	_ =	sdelay $0x2  }
0xbb: {  	s31 =	sshll.u32 s1, $0xD;
	s1 =	sshrl.u32 s1, $0x2  }
0xbc: {  	s3 =	sand.u32 $0x4000, s31;
	s1 =	sadd.s32 s1, s30  }
0xbd: {  	s0 =	sor.u32 s3, s0;
	s1 =	sshll.u32 s1, $0x11  }
0xbe: {  	s0 =	sor.u32 s1, s0  }
0xbf: {  	s0 =	sadd.s32 $0x8F2B, s0  }
0xc0: {  	[sflag:s0] =	ssyncadd.remote.s32 $0x1  }
0xc1: {  	_ =	sfence.sel $0xFFFF  }
0xc2: {  	[dreg:$0x0] =	wrdreg $0xFFFFFFFF;
	(pc) =	sbr.abs _section_cstart, $3  }
0xc3: {  	[dreg:$0x1] =	wrdreg $0xFFFFFFFF  }
0xc4: {  	_ =	task.clear_ibuf [dreg:s8], $0x2FFFF;
	_ =	strace $0x9FFFFFFF  }
0xc5: {  	(tm) =	ssettm $0x7FFFFFFF  }
tec
execute0_lowered:
.L_overlay_start_1:
0x0: {  	(tag) =	ssettag $0x1  }
0x1: {  	s1 =	rddreg [dreg:$0x0]  }
0x2: {  	s2 =	rddreg [dreg:$0x1]  }
0x3: {  	s0 =	rddreg [dreg:$0x2]  }
0x4: {  	s3 =	rddreg [dreg:$0x3];
	s5 =	simm.s32 $0x0;
	s4 =	srdreg.scid  }
0x5: {  	s14 =	stileid.u32;
	s28 =	simm.s32 $0x13A00;
	s29 =	simm.s32 $0x13900  }
0x6: {  	s30 =	simm.s32 $0x17A00;
	s31 =	simm.s32 $0x13980;
	s7 =	smul.u32 $0x4E000, s14  }
0x7: {  	[smem:$0x7FF] =	sst s5;
	s4 =	sand.u32 $0x1, s4;
	s9 =	smul.u32 $0x2700, s14  }
0x8: {  	s6 =	sshll.u32 s14, $0x1;
	s12 =	sshll.u32 s14, $0x6;
	s16 =	smul.u32 $0x4E20, s14  }
0x9: {  	s24 =	smul.u32 $0x4E200, s14;
	p0 =	sne.s32 s14, $0xF;
	s14 =	simm.s32 $0x0  }
0xa: {  	_ =	strace $0x80000047;
	s8 =	ssub.s32 $0x2, s4;
	s18 =	smul.u32 $0x2710, s4  }
0xb: {  	s6 =	sor.u32 s4, s6;
	s4 =	smul.u32 $0x27100, s4;
	s10 =	sshrl.u32 s8, $0x1  }
0xc: {  	s11 =	smul.u32 $0x2710, s6;
	s7 =	sshrl.u32 s7, $0x2;
	s9 =	sadd.s32 s1, s9  }
0xd: {  	s6 =	smul.u32 $0x138800, s6;
	s8 =	ssub.s32 s8, s10;
	s26 =	sadd.s32 s7, s3  }
0xe: {  	[dreg:$0x5] =	wrdreg s9;
	s7 =	sor.u32 $0x1C07, s12;
	s12 =	sadd.s32 $0x138000, s3  }
0xf: {  	s10 =	simm.s32 $0x3;
	s13 =	sshrl.u32 s11, $0x3;
	s21 =	smax.u32 s8, $0x1  }
0x10: {  	s6 =	sshrl.u32 s6, $0x3;
	s26 =	sshrl.u32 s26, $0x3;
	[dreg:$0xf] =	wrdreg s21  }
0x11: {  	s9 =	sadd.s32 s2, s13;
	s13 =	sadd.s32 $0x27000, s1;
	[dreg:$0x10] =	wrdreg s26  }
0x12: {  	s11 =	sadd.s32 $0x2700, s11;
	s6 =	sadd.s32 s0, s6;
	[dreg:$0x7] =	wrdreg s13  }
0x13: {  	s19 =	sshrl.u32 s11, $0x3;
	s15 =	sadd.s32 $0x10, s9;
	[dreg:$0x6] =	wrdreg s9  }
0x14: {  	s20 =	sshll.u32 s11, $0x4;
	s9 =	sadd.s32 $0x20, s9;
	[dreg:$0x8] =	wrdreg s15  }
0x15: {  	s26 =	simm.s32 $0x80;
	s17 =	sadd.s32 $0x25800, s6;
	[dreg:$0x9] =	wrdreg s9  }
0x16: {  	s11 =	simm.s32 $0x4;
	[dreg:$0xa] =	wrdreg s17;
	s15 =	sadd.s32 $0x26000, s6  }
0x17: {  	s13 =	simm.s32 $0x6;
	s6 =	sadd.s32 $0x26800, s6;
	[dreg:$0xb] =	wrdreg s15  }
0x18: {  	s9 =	sadd.s32 s18, s16;
	[dreg:$0xc] =	wrdreg s6;
	s6 =	sadd.s32 s2, s19  }
0x19: {  	s22 =	sadd.s32 $0x280, s9;
	s23 =	sadd.s32 $0x200, s9;
	[dreg:$0xd] =	wrdreg s6  }
0x1a: {  	s6 =	sadd.s32 s0, s20;
	s25 =	sshrl.u32 s23, $0x3;
	s20 =	sadd.s32 $0x180, s9  }
0x1b: {  	s0 =	sadd.s32 s24, s0;
	s24 =	simm.s32 $0x13880;
	s9 =	simm.s32 $0x2  }
0x1c: {  	[dreg:$0xe] =	wrdreg s6;
	s6 =	sshrl.u32 s22, $0x3;
	s19 =	sadd.s32 s25, s2  }
0x1d: {  	s21 =	sadd.s32 s4, s0;
	s0 =	sshrl.u32 @!p0 s12, $0x3;
	s25 =	simm.s32 $0x8  }
0x1e: {  	s4 =	simm.s32 $0x7;
	s12 =	simm.s32 $0x5;
	s18 =	sadd.s32 s6, s2  }
0x1f: {  	[dreg:$0x11] =	wrdreg s0;
	s0 =	simm.s32 $0x1BA00;
	s6 =	simm.s32 $0x1  }
.LBB2_1:
0x20: {  	s8 =	rddreg [dreg:$0x5]  }
0x21: {  	s15 =	rddreg [dreg:$0x10]  }
0x22: {  	[spmem:s15], [sflag:s7] =	dma.local [hbm:s8], $0x2700  }
0x23: {  	s8 =	rddreg [dreg:$0x7]  }
0x24: {  	s15 =	rddreg [dreg:$0x11]  }
0x25: {  	[spmem:s15], [sflag:s7] =	dma.local @!p0 [hbm:s8], $0x100  }
0x26: {  	s8 =	rddreg [dreg:$0x6]  }
0x27: {  	[tilespmem:s24], [sflag:$0x8] =	stream.linear.gather [hbm4b:s8+s5], $0x80, $0x38;
	[tilespmem:$0x1FA00] =	vst v63  }
0x28: {  	_ =	swait.ge [sflag:s25], $0x80  }
0x29: {  	[sflag:s25] =	ssyncset.done $0x0  }
0x2a: {  	[sflag:s25] =	ssyncadd.s32 $0xFFFFFF80  }
0x2b: {  	[tilespmem:s28], [sflag:$0x1] =	stream.indirect.gather [hbm4b:s1+s26], $0x80, s24, s26, $0xb8;
	[tilespmem:$0x1FA00] =	vst v63  }
0x2c: {  	s15 =	rddreg [dreg:$0x8]  }
0x2d: {  	[tilespmem:s29], [sflag:$0x8] =	stream.linear.gather [hbm4b:s15+s5], $0x80, $0x38;
	[tilespmem:$0x1FA00] =	vst v63  }
0x2e: {  	_ =	swait.ge [sflag:s25], $0x80  }
0x2f: {  	[sflag:s25] =	ssyncset.done $0x0  }
0x30: {  	[sflag:s25] =	ssyncadd.s32 $0xFFFFFF80  }
0x31: {  	[tilespmem:s30], [sflag:$0x2] =	stream.indirect.gather [hbm4b:s1+s26], $0x80, s29, s26, $0xb8;
	[tilespmem:$0x1FA00] =	vst v63  }
0x32: {  	s16 =	rddreg [dreg:$0x9]  }
0x33: {  	[tilespmem:s31], [sflag:$0x8] =	stream.linear.gather [hbm4b:s16+s5], $0x80, $0x38;
	[tilespmem:$0x1FA00] =	vst v63  }
0x34: {  	_ =	swait.ge [sflag:s25], $0x80  }
0x35: {  	[sflag:s25] =	ssyncset.done $0x0  }
0x36: {  	[sflag:s25] =	ssyncadd.s32 $0xFFFFFF80  }
0x37: {  	[tilespmem:s0], [sflag:$0x3] =	stream.indirect.gather [hbm4b:s1+s26], $0x80, s31, s26, $0xb8;
	[tilespmem:$0x1FA00] =	vst v63  }
0x38: {  	_ =	swait.ge [sflag:s4], $0x2700  }
0x39: {  	[sflag:s4] =	ssyncset.done $0x0  }
0x3a: {  	s8 =	simm.s32 @!p0 $0x7;
	[sflag:s4] =	ssyncadd.s32 $0xFFFFD900  }
0x3b: {  	_ =	swait.ge @!p0 [sflag:s8], $0x100  }
0x3c: {  	[sflag:s8] =	ssyncset.done @!p0 $0x0  }
0x3d: {  	[sflag:s8] =	ssyncadd.s32 @!p0 $0xFFFFFF00  }
0x3e: {  	[bflag:$0x0] =	sbarrier.arrive $0xFFFF  }
0x3f: {  	_ =	swait.ge [sflag:s6], $0x4000  }
0x40: {  	[sflag:s6] =	ssyncset.done $0x0  }
0x41: {  	s17 =	sadd.s32 $0x0, s21;
	[sflag:s6] =	ssyncadd.s32 $0xFFFFC000  }
0x42: {  	[hbm4b:s17+s5] =	stream.linear.scatter [tilespmem:s28], [sflag:$0x4], $0x4000, $0x38;
	[tilespmem:$0x1FA00] =	vst v63  }
0x43: {  	_ =	swait.ge [sflag:s9], $0x4000  }
0x44: {  	[sflag:s9] =	ssyncset.done $0x0  }
0x45: {  	s22 =	sadd.s32 $0x800, s17;
	[sflag:s9] =	ssyncadd.s32 $0xFFFFC000  }
0x46: {  	[hbm4b:s22+s5] =	stream.linear.scatter [tilespmem:s30], [sflag:$0x5], $0x4000, $0x38;
	[tilespmem:$0x1FA00] =	vst v63  }
0x47: {  	_ =	swait.ge [sflag:s10], $0x4000  }
0x48: {  	[sflag:s10] =	ssyncset.done $0x0  }
0x49: {  	s8 =	sadd.s32 $0x1000, s17;
	[sflag:s10] =	ssyncadd.s32 $0xFFFFC000  }
0x4a: {  	[hbm4b:s8+s5] =	stream.linear.scatter [tilespmem:s0], [sflag:$0x6], $0x4000, $0x38;
	[tilespmem:$0x1FA00] =	vst v63  }
0x4b: {  	_ =	swait.ge [sflag:s11], $0x4000  }
0x4c: {  	s23 =	sshrl.u32 s20, $0x3;
	[sflag:s11] =	ssyncset.done $0x0  }
0x4d: {  	s8 =	sadd.s32 s2, s23;
	[sflag:s11] =	ssyncadd.s32 $0xFFFFC000  }
0x4e: {  	[tilespmem:s24], [sflag:$0x8] =	stream.linear.gather [hbm4b:s8+s5], $0x80, $0x38;
	[tilespmem:$0x1FA00] =	vst v63  }
0x4f: {  	_ =	swait.ge [sflag:s25], $0x80  }
0x50: {  	[sflag:s25] =	ssyncset.done $0x0  }
0x51: {  	[sflag:s25] =	ssyncadd.s32 $0xFFFFFF80  }
0x52: {  	[tilespmem:s28], [sflag:$0x1] =	stream.indirect.gather [spmem:s3], $0x80, s24, s26, $0xb8;
	[tilespmem:$0x1FA00] =	vst v63  }
0x53: {  	_ =	swait.ge [sflag:s12], $0x4000  }
0x54: {  	[sflag:s12] =	ssyncset.done $0x0  }
0x55: {  	[sflag:s12] =	ssyncadd.s32 $0xFFFFC000  }
0x56: {  	[tilespmem:s29], [sflag:$0x8] =	stream.linear.gather [hbm4b:s19+s5], $0x80, $0x38;
	[tilespmem:$0x1FA00] =	vst v63  }
0x57: {  	_ =	swait.ge [sflag:s25], $0x80  }
0x58: {  	[sflag:s25] =	ssyncset.done $0x0  }
0x59: {  	[sflag:s25] =	ssyncadd.s32 $0xFFFFFF80  }
0x5a: {  	[tilespmem:s30], [sflag:$0x2] =	stream.indirect.gather [spmem:s3], $0x80, s29, s26, $0xb8;
	[tilespmem:$0x1FA00] =	vst v63  }
0x5b: {  	_ =	swait.ge [sflag:s13], $0x4000  }
0x5c: {  	[sflag:s13] =	ssyncset.done $0x0  }
0x5d: {  	[sflag:s13] =	ssyncadd.s32 $0xFFFFC000  }
0x5e: {  	[tilespmem:s31], [sflag:$0x8] =	stream.linear.gather [hbm4b:s18+s5], $0x80, $0x38;
	[tilespmem:$0x1FA00] =	vst v63  }
0x5f: {  	_ =	swait.ge [sflag:s25], $0x80  }
0x60: {  	s15 =	simm.s32 $0x1800;
	s16 =	sadd.s32 $0x30, s18;
	[sflag:s25] =	ssyncset.done $0x0  }
0x61: {  	s17 =	sadd.s32 $0x30, s19;
	s8 =	sadd.s32 $0x180, s20;
	[sflag:s25] =	ssyncadd.s32 $0xFFFFFF80  }
.LBB2_2:
0x62: {  	[tilespmem:s0], [sflag:$0x3] =	stream.indirect.gather [spmem:s3], $0x80, s31, s26, $0xb8;
	[tilespmem:$0x1FA00] =	vst v63  }
0x63: {  	s22 =	smov.u32 s15  }
0x64: {  	p1 =	sne.s32 s15, $0x24000;
	s15 =	sadd.s32 $0x1800, s15;
	_ =	swait.ge [sflag:s6], $0x4000  }
0x65: {  	[sflag:s6] =	ssyncset.done $0x0  }
0x66: {  	s22 =	sadd.s32 s22, s21;
	[sflag:s6] =	ssyncadd.s32 $0xFFFFC000  }
0x67: {  	[hbm4b:s22+s5] =	stream.linear.scatter [tilespmem:s28], [sflag:$0x4], $0x4000, $0x38;
	[tilespmem:$0x1FA00] =	vst v63  }
0x68: {  	_ =	swait.ge [sflag:s9], $0x4000  }
0x69: {  	[sflag:s9] =	ssyncset.done $0x0  }
0x6a: {  	s23 =	sadd.s32 $0x800, s22;
	[sflag:s9] =	ssyncadd.s32 $0xFFFFC000  }
0x6b: {  	[hbm4b:s23+s5] =	stream.linear.scatter [tilespmem:s30], [sflag:$0x5], $0x4000, $0x38;
	[tilespmem:$0x1FA00] =	vst v63  }
0x6c: {  	_ =	swait.ge [sflag:s10], $0x4000  }
0x6d: {  	[sflag:s10] =	ssyncset.done $0x0  }
0x6e: {  	s22 =	sadd.s32 $0x1000, s22;
	[sflag:s10] =	ssyncadd.s32 $0xFFFFC000  }
0x6f: {  	[hbm4b:s22+s5] =	stream.linear.scatter [tilespmem:s0], [sflag:$0x6], $0x4000, $0x38;
	[tilespmem:$0x1FA00] =	vst v63  }
0x70: {  	_ =	swait.ge [sflag:s11], $0x4000  }
0x71: {  	s22 =	sshrl.u32 s8, $0x3;
	[sflag:s11] =	ssyncset.done $0x0  }
0x72: {  	s22 =	sadd.s32 s2, s22;
	[sflag:s11] =	ssyncadd.s32 $0xFFFFC000  }
0x73: {  	[tilespmem:s24], [sflag:$0x8] =	stream.linear.gather [hbm4b:s22+s5], $0x80, $0x38;
	[tilespmem:$0x1FA00] =	vst v63  }
0x74: {  	_ =	swait.ge [sflag:s25], $0x80  }
0x75: {  	[sflag:s25] =	ssyncset.done $0x0  }
0x76: {  	[sflag:s25] =	ssyncadd.s32 $0xFFFFFF80  }
0x77: {  	[tilespmem:s28], [sflag:$0x1] =	stream.indirect.gather [spmem:s3], $0x80, s24, s26, $0xb8;
	[tilespmem:$0x1FA00] =	vst v63  }
0x78: {  	_ =	swait.ge [sflag:s12], $0x4000  }
0x79: {  	[sflag:s12] =	ssyncset.done $0x0  }
0x7a: {  	[sflag:s12] =	ssyncadd.s32 $0xFFFFC000  }
0x7b: {  	[tilespmem:s29], [sflag:$0x8] =	stream.linear.gather [hbm4b:s17+s5], $0x80, $0x38;
	[tilespmem:$0x1FA00] =	vst v63  }
0x7c: {  	_ =	swait.ge [sflag:s25], $0x80  }
0x7d: {  	[sflag:s25] =	ssyncset.done $0x0  }
0x7e: {  	[sflag:s25] =	ssyncadd.s32 $0xFFFFFF80  }
0x7f: {  	[tilespmem:s30], [sflag:$0x2] =	stream.indirect.gather [spmem:s3], $0x80, s29, s26, $0xb8;
	[tilespmem:$0x1FA00] =	vst v63  }
0x80: {  	_ =	swait.ge [sflag:s13], $0x4000  }
0x81: {  	[sflag:s13] =	ssyncset.done $0x0  }
.Ltmp0:
0x82: {  	[sflag:s13] =	ssyncadd.s32 $0xFFFFC000;
	(pc) =	sbr.rel @p1 .LBB2_2-.Ltmp0, $4  }
0x83: {  	[tilespmem:s31], [sflag:$0x8] =	stream.linear.gather [hbm4b:s16+s5], $0x80, $0x38;
	[tilespmem:$0x1FA00] =	vst v63  }
0x84: {  	_ =	swait.ge [sflag:s25], $0x80  }
0x85: {  	s8 =	sadd.s32 $0x180, s8;
	[sflag:s25] =	ssyncset.done $0x0  }
0x86: {  	s17 =	sadd.s32 $0x30, s17;
	s16 =	sadd.s32 $0x30, s16;
	[sflag:s25] =	ssyncadd.s32 $0xFFFFFF80  }
0x87: {  	[tilespmem:s0], [sflag:$0x3] =	stream.indirect.gather [spmem:s3], $0x80, s31, s26, $0xb8;
	[tilespmem:$0x1FA00] =	vst v63  }
0x88: {  	_ =	swait.ge [sflag:s6], $0x4000  }
0x89: {  	[sflag:s6] =	ssyncset.done $0x0  }
0x8a: {  	s8 =	rddreg [dreg:$0xa];
	[sflag:s6] =	ssyncadd.s32 $0xFFFFC000  }
0x8b: {  	[hbm4b:s8+s5] =	stream.linear.scatter [tilespmem:s28], [sflag:$0x4], $0x4000, $0x38;
	[tilespmem:$0x1FA00] =	vst v63  }
0x8c: {  	_ =	swait.ge [sflag:s9], $0x4000  }
0x8d: {  	[sflag:s9] =	ssyncset.done $0x0  }
0x8e: {  	s23 =	rddreg [dreg:$0xb];
	[sflag:s9] =	ssyncadd.s32 $0xFFFFC000  }
0x8f: {  	[hbm4b:s23+s5] =	stream.linear.scatter [tilespmem:s30], [sflag:$0x5], $0x4000, $0x38;
	[tilespmem:$0x1FA00] =	vst v63  }
0x90: {  	_ =	swait.ge [sflag:s10], $0x4000  }
0x91: {  	[sflag:s10] =	ssyncset.done $0x0  }
0x92: {  	s15 =	rddreg [dreg:$0xc];
	[sflag:s10] =	ssyncadd.s32 $0xFFFFC000  }
0x93: {  	[hbm4b:s15+s5] =	stream.linear.scatter [tilespmem:s0], [sflag:$0x6], $0x4000, $0x38;
	[tilespmem:$0x1FA00] =	vst v63  }
0x94: {  	_ =	swait.ge [sflag:s11], $0x4000  }
0x95: {  	[sflag:s11] =	ssyncset.done $0x0  }
0x96: {  	[sflag:s11] =	ssyncadd.s32 $0xFFFFC000  }
0x97: {  	_ =	swait.ge [sflag:s12], $0x4000  }
0x98: {  	[sflag:s12] =	ssyncset.done $0x0  }
0x99: {  	[sflag:s12] =	ssyncadd.s32 $0xFFFFC000  }
0x9a: {  	_ =	swait.ge [sflag:s13], $0x4000  }
0x9b: {  	[sflag:s13] =	ssyncset.done $0x0  }
0x9c: {  	s16 =	rddreg [dreg:$0xd];
	[sflag:s13] =	ssyncadd.s32 $0xFFFFC000  }
0x9d: {  	[tilespmem:s24], [sflag:$0x8] =	stream.linear.gather [hbm4b:s16+s5], $0x10, $0x38;
	[tilespmem:$0x1FA00] =	vst v63  }
0x9e: {  	_ =	swait.ge [sflag:s25], $0x10  }
0x9f: {  	[sflag:s25] =	ssyncset.done $0x0  }
0xa0: {  	s17 =	simm.s32 $0x10;
	[sflag:s25] =	ssyncadd.s32 $0xFFFFFFF0  }
0xa1: {  	[tilespmem:s28], [sflag:$0x1] =	stream.indirect.gather [spmem:s3], $0x80, s24, s17, $0xb8;
	[tilespmem:$0x1FA00] =	vst v63  }
0xa2: {  	_ =	swait.ge [sflag:s6], $0x800  }
0xa3: {  	[sflag:s6] =	ssyncset.done $0x0  }
0xa4: {  	s22 =	rddreg [dreg:$0xe];
	[sflag:s6] =	ssyncadd.s32 $0xFFFFF800  }
0xa5: {  	[hbm4b:s22+s5] =	stream.linear.scatter [tilespmem:s28], [sflag:$0x8], $0x800, $0x38;
	[tilespmem:$0x1FA00] =	vst v63  }
0xa6: {  	_ =	swait.ge [sflag:s25], $0x800  }
0xa7: {  	s14 =	sadd.s32 $0x1, s14;
	s23 =	rddreg [dreg:$0xf]  }
0xa8: {  	p1 =	sne.s32 s14, s23  }
.Ltmp1:
0xa9: {  	_ = 	snop;
	(pc) =	sbr.rel @p1 .LBB2_1-.Ltmp1, $3  }
0xaa: {  	_ =	sdelay $0x1  }
0xab: {  	[sflag:s25] =	ssyncset.done $0x0  }
0xac: {  	[sflag:s25] =	ssyncadd.s32 $0xFFFFF800  }
0xad: {  	_ =	sfence.sel $0x180000  }
0xae: {  	[bflag:$0x0] =	sbarrier.arrive $0xFFFF  }
0xaf: {  	_ =	strace $0x90000047  }
0xb0: {  	s0 =	stileid.u32;
	[bflag:$0x2] =	sbarrier.arrive $0xFFFF  }
0xb1: {  	p0 =	sne.s32 s0, $0x0;
	s0 =	rddreg [dreg:$0x4]  }
0xb2: {  	s0 =	sadd.s32 @!p0 $0x100000, s0  }
0xb3: {  	[sflag:s0] =	ssyncadd.tile.s32 @!p0 $0x1;
	_ =	shalt  }
.Lfunc_end2:
_tile_overlayer_lowered:
.L_overlay_start_2:
0xb4: {  	(tag) =	ssettag $0x2  }
0xb5: {  	s0 =	rddreg [dreg:$0x0];
	s2 =	stileid.u32  }
0xb6: {  	s1 =	rddreg [dreg:$0x1];
	p0 =	sne.s32 s2, $0x0  }
0xb7: {  	s3 =	rddreg [dreg:$0x2];
	[bflag:$0x3] =	sbarrier.arrive $0xFFFF;
	s2 =	simm.s32 @!p0 $0x1C08  }
0xb8: {  	[timem:s3], [sflag:s2] =	dma.local @!p0 [hbm:s0], s1  }
0xb9: {  	s0 =	simm.s32 @!p0 $0x8  }
0xba: {  	_ =	swait.ge @!p0 [sflag:s0], s1  }
0xbb: {  	s1 =	ssub.s32 @!p0 $0x0, s1;
	[sflag:s0] =	ssyncset.done @!p0 $0x0  }
0xbc: {  	[sflag:s0] =	ssyncadd.s32 @!p0 s1  }
0xbd: {  	[bflag:$0x3] =	sbarrier.arrive $0xFFFF  }
0xbe: {  	_ =	shalt  }

</sc_bundles>
